<compile_context>
chip_gen: v7x
topology: tpu7x:2x2x1
jax: 0.10.2.dev20260603
libtpu: 0.0.44.dev20260713+nightly
codegen_flags: <defaults>
</compile_context>

<pallas_src>
import functools

import jax
import jax.numpy as jnp
from jax import lax
from jax.experimental import pallas as pl
from jax.experimental.pallas import tpu as pltpu
from jax.experimental.pallas import tpu_sc as plsc

_B = 1024
_V = 100000
_H = 200
_L = 16

_NC = 2
_NS = 16
_NW = _NC * _NS
_TOTAL = _B * _H
_XN = _B * _V
_PER_W = _TOTAL // _NW


def _gather_body(x1d_hbm, idx_hbm, out_hbm, idx_v, out_v, sem):
    wid = lax.axis_index("s") * _NC + lax.axis_index("c")
    gbase = wid * _PER_W
    pltpu.sync_copy(idx_hbm.at[pl.ds(gbase, _PER_W)], idx_v)

    def one_off(t):
        sl = pl.ds(t * _L, _L)
        lanes = lax.iota(jnp.int32, _L)
        p0 = gbase + t * _L
        bt = (p0 >> 10) & 7
        bc0 = p0 & 127
        v = idx_v[sl]
        idx_v[sl] = (
            ((v >> 3) << 13)
            + ((v & 7) << 7)
            + ((bt << 10) + bc0)
            + lanes
        )

    _NG = 4
    _GE = _PER_W // _NG
    _GV = _GE // _L

    def off_group(vbase, carry):
        @plsc.parallel_loop(0, _GV, unroll=4)
        def _(u):
            one_off(vbase + u)
        return carry

    def group_body(g, carry):
        carry = off_group(g * _GV, carry)
        sl = pl.ds(g * _GE, _GE)
        pltpu.make_async_copy(
            x1d_hbm.at[idx_v.at[sl]], out_v.at[sl], sem
        ).start()
        return carry

    lax.fori_loop(0, _NG, group_body, 0)

    def drain_body(g, carry):
        sl = pl.ds(g * _GE, _GE)
        pltpu.make_async_copy(
            x1d_hbm.at[idx_v.at[sl]], out_v.at[sl], sem
        ).wait()
        return carry

    lax.fori_loop(0, _NG, drain_body, 0)

    pltpu.sync_copy(out_v, out_hbm.at[pl.ds(gbase, _PER_W)])


@functools.partial(
    pl.kernel,
    out_type=jax.ShapeDtypeStruct((_TOTAL,), jnp.float32),
    mesh=plsc.VectorSubcoreMesh(core_axis_name="c", subcore_axis_name="s"),
    compiler_params=pltpu.CompilerParams(needs_layout_passes=False),
    scratch_types=[
        pltpu.VMEM((_PER_W,), jnp.int32),
        pltpu.VMEM((_PER_W,), jnp.float32),
        pltpu.SemaphoreType.DMA,
    ],
)
def _sc_gather(x1d_hbm, idx_hbm, out_hbm, idx_v, out_v, sem):
    _gather_body(x1d_hbm, idx_hbm, out_hbm, idx_v, out_v, sem)


def kernel(x, dim, index, sparse_grad):
    del dim, sparse_grad
    x1d = x.T.reshape(12500, 8, 8, 128).transpose(0, 2, 1, 3).reshape(_XN)
    idx1d = (
        index.T.reshape(25, 8, 8, 128).transpose(0, 2, 1, 3).reshape(_TOTAL)
    ).astype(jnp.int32)
    out1d = _sc_gather(x1d, idx1d)
    return out1d.reshape(25, 8, 8, 128).transpose(0, 2, 1, 3).reshape(_H, _B).T

# --- scband reference (transcript-rebuilt; emitter-appended) ---
"""Pipeline reference for scband-torch-ops-aten-gather-module-53987738911004 (READ-ONLY COPY).

The authoritative reference and input builder live on the scoring server;
editing this copy changes nothing except your own understanding.
"""

import jax, jax.numpy as jnp
import numpy as np

BATCH = 1024
VOCAB = 100000
HIST = 200
DIM = 1

def setup_inputs(seed: int = 0):
    key = jax.random.key(seed)
    k1, k2 = jax.random.split(key)
    x = jax.random.normal(k1, (BATCH, VOCAB), dtype=jnp.float32)
    index = jax.random.randint(k2, (BATCH, HIST), 0, VOCAB)
    return {"x": x, "dim": DIM, "index": index, "sparse_grad": True}

def reference(x, dim, index, sparse_grad):
    # torch.ops.aten.gather(x, dim, index, sparse_grad) == take_along_axis
    # sparse_grad only affects the backward representation in torch; forward math identical.
    return jnp.take_along_axis(x, index + dim * 0, axis=DIM)

if __name__ == "__main__":
    import jax
    _d = setup_inputs()
    print(jax.jit(kernel)(*tuple(_d.values())))

</pallas_src>

<mosaic_0001>
#map = affine_map<(d0, d1) -> (0)>
module attributes {stable_mosaic.version = 14 : i64} {
  func.func @_sc_gather(%arg0: i32, %arg1: i32, %arg2: memref<102400000xf32, #tpu.memory_space<hbm>>, %arg3: memref<204800xi32, #tpu.memory_space<hbm>>, %arg4: memref<204800xf32, #tpu.memory_space<hbm>>, %arg5: memref<6400xi32, #tpu.memory_space<vmem>>, %arg6: memref<6400xf32, #tpu.memory_space<vmem>>, %arg7: memref<!tpu.dma_semaphore, #tpu.memory_space<semaphore_mem>>) attributes {dimension_semantics = [#tpu.dimension_semantics<core_parallel>, #tpu.dimension_semantics<subcore_parallel>], iteration_bounds = array<i64: 2, 16>, scalar_prefetch = 0 : i64, scratch_operands = 3 : i64, tpu.core_type = #tpu.core_type<sc_vector_subcore>, window_params = [{transform_indices = #map}, {transform_indices = #map}, {transform_indices = #map}]} {
    %mul3A = arith.constant 2 : i32
    %mul3A_0 = arith.muli %arg1, %mul3A : i32
    %add3A = arith.addi %mul3A_0, %arg0 : i32
    %mul3A_1 = arith.constant 6400 : i32
    %mul3A_2 = arith.muli %add3A, %mul3A_1 : i32
    "tpu.region"() ({
      %run_scoped3A = tpu.sem_alloc : memref<!tpu.dma_semaphore, #tpu.memory_space<semaphore_mem>>
      %dma_start3A = tpu.memref_slice %arg3[%mul3A_2] : memref<204800xi32, #tpu.memory_space<hbm>> -> memref<6400xi32, #tpu.memory_space<hbm>>
      %dma_start3A_14 = tpu.memref_slice %arg3[%mul3A_2] : memref<204800xi32, #tpu.memory_space<hbm>> -> memref<6400xi32, #tpu.memory_space<hbm>>
      tpu.enqueue_dma source(%dma_start3A_14 : memref<6400xi32, #tpu.memory_space<hbm>>) target(%arg5 : memref<6400xi32, #tpu.memory_space<vmem>>) target_semaphore(%run_scoped3A : memref<!tpu.dma_semaphore, #tpu.memory_space<semaphore_mem>>)
      %dma_wait3A = tpu.memref_slice %arg3[%mul3A_2] : memref<204800xi32, #tpu.memory_space<hbm>> -> memref<6400xi32, #tpu.memory_space<hbm>>
      %dma_wait3A_15 = tpu.memref_slice %arg3[%mul3A_2] : memref<204800xi32, #tpu.memory_space<hbm>> -> memref<6400xi32, #tpu.memory_space<hbm>>
      tpu.wait_dma2 semaphore(%run_scoped3A : memref<!tpu.dma_semaphore, #tpu.memory_space<semaphore_mem>>) src(%dma_wait3A_15 : memref<6400xi32, #tpu.memory_space<hbm>>) dst(%arg5 : memref<6400xi32, #tpu.memory_space<vmem>>)
      tpu.yield
    }) : () -> ()
    %scan3A = arith.constant 0 : i32
    %scan3A_3 = arith.constant 0 : i32
    %scan3A_4 = arith.constant 4 : i32
    %scan3A_5 = arith.addi %scan3A_3, %scan3A_4 : i32
    %scan3A_6 = arith.constant 1 : i32
    scf.for %scan3A_14 = %scan3A_3 to %scan3A_5 step %scan3A_6  : i32 {
      %mul3A_15 = arith.constant 100 : i32
      %mul3A_16 = arith.muli %scan3A_14, %mul3A_15 : i32
      %parallel_loop3A = arith.constant 0 : i32
      %parallel_loop3A_17 = arith.constant 100 : i32
      %parallel_loop3A_18 = arith.constant 1 : i32
      scf.for %parallel_loop3A_24 = %parallel_loop3A to %parallel_loop3A_17 step %parallel_loop3A_18  : i32 {
        %parallel_loop3A_25 = arith.addi %mul3A_16, %parallel_loop3A_24 : i32
        %parallel_loop3A_26 = arith.constant 16 : i32
        %parallel_loop3A_27 = arith.muli %parallel_loop3A_25, %parallel_loop3A_26 : i32
        %parallel_loop3A_28 = tpu.iota {dimensions = array<i32: 0>} : vector<16xi32>
        %parallel_loop3A_29 = arith.constant 16 : i32
        %parallel_loop3A_30 = arith.muli %parallel_loop3A_25, %parallel_loop3A_29 : i32
        %parallel_loop3A_31 = arith.addi %mul3A_2, %parallel_loop3A_30 : i32
        %parallel_loop3A_32 = arith.constant 10 : i32
        %parallel_loop3A_33 = arith.shrsi %parallel_loop3A_31, %parallel_loop3A_32 : i32
        %parallel_loop3A_34 = arith.constant 7 : i32
        %parallel_loop3A_35 = arith.andi %parallel_loop3A_33, %parallel_loop3A_34 : i32
        %parallel_loop3A_36 = arith.constant 127 : i32
        %parallel_loop3A_37 = arith.andi %parallel_loop3A_31, %parallel_loop3A_36 : i32
        %parallel_loop3A_38 = arith.index_cast %parallel_loop3A_27 : i32 to index
        %parallel_loop3A_39 = tpu.vector_load %arg5[%parallel_loop3A_38] {strides = array<i32>} : memref<6400xi32, #tpu.memory_space<vmem>>, vector<16xi32>,
        %parallel_loop3A_40 = arith.constant 3 : i32
        %parallel_loop3A_41 = vector.broadcast %parallel_loop3A_40 : i32 to vector<16xi32>
        %parallel_loop3A_42 = arith.shrsi %parallel_loop3A_39, %parallel_loop3A_41 : vector<16xi32>
        %parallel_loop3A_43 = arith.constant 13 : i32
        %parallel_loop3A_44 = vector.broadcast %parallel_loop3A_43 : i32 to vector<16xi32>
        %parallel_loop3A_45 = arith.shli %parallel_loop3A_42, %parallel_loop3A_44 : vector<16xi32>
        %parallel_loop3A_46 = arith.constant 7 : i32
        %parallel_loop3A_47 = vector.broadcast %parallel_loop3A_46 : i32 to vector<16xi32>
        %parallel_loop3A_48 = arith.andi %parallel_loop3A_39, %parallel_loop3A_47 : vector<16xi32>
        %parallel_loop3A_49 = arith.constant 7 : i32
        %parallel_loop3A_50 = vector.broadcast %parallel_loop3A_49 : i32 to vector<16xi32>
        %parallel_loop3A_51 = arith.shli %parallel_loop3A_48, %parallel_loop3A_50 : vector<16xi32>
        %parallel_loop3A_52 = arith.addi %parallel_loop3A_45, %parallel_loop3A_51 : vector<16xi32>
        %parallel_loop3A_53 = arith.constant 10 : i32
        %parallel_loop3A_54 = arith.shli %parallel_loop3A_35, %parallel_loop3A_53 : i32
        %parallel_loop3A_55 = arith.addi %parallel_loop3A_54, %parallel_loop3A_37 : i32
        %parallel_loop3A_56 = vector.broadcast %parallel_loop3A_55 : i32 to vector<16xi32>
        %parallel_loop3A_57 = arith.addi %parallel_loop3A_52, %parallel_loop3A_56 : vector<16xi32>
        %parallel_loop3A_58 = arith.addi %parallel_loop3A_57, %parallel_loop3A_28 : vector<16xi32>
        %parallel_loop3A_59 = arith.index_cast %parallel_loop3A_27 : i32 to index
        %parallel_loop3A_60 = tpu.vector_load %arg5[%parallel_loop3A_59] {strides = array<i32>} : memref<6400xi32, #tpu.memory_space<vmem>>, vector<16xi32>,
        tpu.vector_store %arg5[%parallel_loop3A_59], %parallel_loop3A_58 {strides = array<i32>} : memref<6400xi32, #tpu.memory_space<vmem>>, vector<16xi32>,
      } {sc.loop_unroll_factor = 4 : i64, sc.parallel_access}
      %mul3A_19 = arith.constant 1600 : i32
      %mul3A_20 = arith.muli %scan3A_14, %mul3A_19 : i32
      %dma_start3A = tpu.memref_slice %arg6[%mul3A_20] : memref<6400xf32, #tpu.memory_space<vmem>> -> memref<1600xf32, #tpu.memory_space<vmem>>
      %dma_start3A_21 = tpu.memref_slice %arg5[%mul3A_20] : memref<6400xi32, #tpu.memory_space<vmem>> -> memref<1600xi32, #tpu.memory_space<vmem>>
      %dma_start3A_22 = arith.constant 0 : i32
      %dma_start3A_23 = tpu.memref_slice %arg2[%dma_start3A_22] : memref<102400000xf32, #tpu.memory_space<hbm>> -> memref<102400000xf32, #tpu.memory_space<hbm>>
      tpu.enqueue_indirect_dma source(%dma_start3A_23 : memref<102400000xf32, #tpu.memory_space<hbm>>) target(%dma_start3A : memref<1600xf32, #tpu.memory_space<vmem>>) offsets(%dma_start3A_21 : memref<1600xi32, #tpu.memory_space<vmem>>) semaphore(%arg7 : memref<!tpu.dma_semaphore, #tpu.memory_space<semaphore_mem>>)
    }
    %scan3A_7 = arith.constant 4 : i32
    %scan3A_8 = arith.constant 0 : i32
    %scan3A_9 = arith.constant 0 : i32
    %scan3A_10 = arith.constant 4 : i32
    %scan3A_11 = arith.addi %scan3A_9, %scan3A_10 : i32
    %scan3A_12 = arith.constant 1 : i32
    scf.for %scan3A_14 = %scan3A_9 to %scan3A_11 step %scan3A_12  : i32 {
      %mul3A_15 = arith.constant 1600 : i32
      %mul3A_16 = arith.muli %scan3A_14, %mul3A_15 : i32
      %dma_wait3A = tpu.memref_slice %arg6[%mul3A_16] : memref<6400xf32, #tpu.memory_space<vmem>> -> memref<1600xf32, #tpu.memory_space<vmem>>
      %dma_wait3A_17 = tpu.memref_slice %arg5[%mul3A_16] : memref<6400xi32, #tpu.memory_space<vmem>> -> memref<1600xi32, #tpu.memory_space<vmem>>
      %dma_wait3A_18 = arith.constant 0 : i32
      %dma_wait3A_19 = tpu.memref_slice %arg2[%dma_wait3A_18] : memref<102400000xf32, #tpu.memory_space<hbm>> -> memref<102400000xf32, #tpu.memory_space<hbm>>
      tpu.wait_indirect_dma semaphore(%arg7 : memref<!tpu.dma_semaphore, #tpu.memory_space<semaphore_mem>>) src(%dma_wait3A_19 : memref<102400000xf32, #tpu.memory_space<hbm>>) dst(%dma_wait3A : memref<1600xf32, #tpu.memory_space<vmem>>)
    }
    %scan3A_13 = arith.constant 4 : i32
    "tpu.region"() ({
      %run_scoped3A = tpu.sem_alloc : memref<!tpu.dma_semaphore, #tpu.memory_space<semaphore_mem>>
      %dma_start3A = tpu.memref_slice %arg4[%mul3A_2] : memref<204800xf32, #tpu.memory_space<hbm>> -> memref<6400xf32, #tpu.memory_space<hbm>>
      %dma_start3A_14 = tpu.memref_slice %arg4[%mul3A_2] : memref<204800xf32, #tpu.memory_space<hbm>> -> memref<6400xf32, #tpu.memory_space<hbm>>
      tpu.enqueue_dma source(%arg6 : memref<6400xf32, #tpu.memory_space<vmem>>) target(%dma_start3A_14 : memref<6400xf32, #tpu.memory_space<hbm>>) target_semaphore(%run_scoped3A : memref<!tpu.dma_semaphore, #tpu.memory_space<semaphore_mem>>)
      %dma_wait3A = tpu.memref_slice %arg4[%mul3A_2] : memref<204800xf32, #tpu.memory_space<hbm>> -> memref<6400xf32, #tpu.memory_space<hbm>>
      %dma_wait3A_15 = tpu.memref_slice %arg4[%mul3A_2] : memref<204800xf32, #tpu.memory_space<hbm>> -> memref<6400xf32, #tpu.memory_space<hbm>>
      tpu.wait_dma2 semaphore(%run_scoped3A : memref<!tpu.dma_semaphore, #tpu.memory_space<semaphore_mem>>) src(%arg6 : memref<6400xf32, #tpu.memory_space<vmem>>) dst(%dma_wait3A_15 : memref<6400xf32, #tpu.memory_space<hbm>>)
      tpu.yield
    }) : () -> ()
    return
  }
}

</mosaic_0001>

<sc_bundles>
// kernel: kernel.3.cloned.1.call-start
scs
__scs_entry_jumppad:
0x0: {  	(pc) =	sbr.rel $0x88, $3  }
0x1: {  	(tag) =	ssettag $0x0;
	lr =	simm.s32 $0x1  }
0x2: {  	[smem:$0x3F9F] =	sst lr;
	_ =	strace $0xD0000000  }
0x3: {  	_ = 	snop  }
0x4: {  	_ = 	snop  }
0x5: {  	_ = 	snop  }
0x6: {  	_ = 	snop  }
0x7: {  	_ = 	snop  }
__scs_overlays_trampoline_lowered:
0x8: {  	[smem:$0x3FAE] =	sst s0  }
0x9: {  	[smem:$0x3FAF] =	sst s1  }
0xa: {  	[smem:$0x3FB0] =	sst s2  }
0xb: {  	[smem:$0x3FB1] =	sst s3  }
0xc: {  	[smem:$0x3FB2] =	sst s4  }
0xd: {  	[smem:$0x3FB3] =	sst s5  }
0xe: {  	[smem:$0x3FB4] =	sst s6  }
0xf: {  	[smem:$0x3FB5] =	sst s7  }
0x10: {  	[smem:$0x3FB6] =	sst s8  }
0x11: {  	[smem:$0x3FB7] =	sst s9;
	s0 =	simm.s32 @!p0 $0x0  }
0x12: {  	s1 =	sld [smem:$0x3F9D];
	s0 =	simm.s32 @p0 $0x1  }
0x13: {  	[smem:$0x3FB8] =	sst s0;
	s0 =	simm.s32 @!p1 $0x0  }
0x14: {  	s2 =	sld [smem:$0x3F9C];
	s0 =	simm.s32 @p1 $0x1  }
0x15: {  	[smem:$0x3FB9] =	sst s0;
	s0 =	simm.s32 @!p2 $0x0  }
0x16: {  	s3 =	sld [smem:$0x3FDB];
	s0 =	simm.s32 @p2 $0x1  }
0x17: {  	s4 =	simm.s32 $0x1BF5;
	[smem:$0x3FBB] =	sst s0  }
0x18: {  	s0 =	sld [smem:$0x3F9E];
	_ =	swait.ge [sflag:s4], $0x0  }
0x19: {  	s7 =	sld [smem:$0x3F9F]  }
0x1a: {  	s8 =	sadd.s32 $0xFFFFE003, lr  }
0x1b: {  	s9 =	sadd.s32 $0xFFFFFEF7, lr;
	s5 =	simm.s32 $0xFFFFFFFF;
	p2 =	slt.u32 s8, $0xFFFFF086  }
0x1c: {  	p1 =	slt.u32 s9, $0xF7A;
	s5 =	simm.s32 @!p2 $0x0  }
0x1d: {  	s5 =	simm.s32 @p1 $0x1;
	p0 =	seq.s32 s7, s2  }
0x1e: {  	s7 =	smul.u32 @!p0 $0xF7A, s2;
	p2 =	seq.s32 @!p0 s5, $0x0  }
0x1f: {  	s9 =	smul.u32 $0xF7A, s1;
	s8 =	simm.s32 @!p0 $0x1BF5;
	p2 =	por !p2, p0  }
0x20: {  	[sflag:s8] =	ssyncset.s32 @!p0 $0xFFFFF086;
	s6 =	sadd.s32 @!p0 s3, s7;
	s7 =	simm.s32 @!p0 $0x108  }
0x21: {  	s3 =	sadd.s32 s3, s9;
	s6 =	sadd.s32 @!p0 $0x88, s6;
	s7 =	simm.s32 @p2 $0x1082  }
0x22: {  	[simem:s7], [sflag:s8] =	dma.local @!p0 [hbm:s6], $0xF7A  }
0x23: {  	s9 =	sor.u32 $0xD0000000, s2;
	s6 =	simm.s32 $0x108;
	_ =	swait.ge @!p0 [sflag:s8], $0x0  }
0x24: {  	s3 =	sadd.s32 $0x88, s3;
	s6 =	simm.s32 @!p1 $0x1082;
	[sflag:s4] =	ssyncset.s32 $0xFFFFF086  }
0x25: {  	[simem:s6], [sflag:s4] =	dma.local [hbm:s3], $0xF7A  }
0x26: {  	[smem:$0x3F9F] =	sst s1;
	(tag) =	ssettag s2;
	_ =	strace s9  }
0x27: {  	s1 =	sld [smem:$0x3FAF]  }
0x28: {  	s2 =	sld [smem:$0x3FB0]  }
0x29: {  	s4 =	sld [smem:$0x3FB2]  }
0x2a: {  	p0 =	seq.s32 s5, $0x0;
	s5 =	sld [smem:$0x3FB3]  }
0x2b: {  	s6 =	sld [smem:$0x3FB4]  }
0x2c: {  	s7 =	sld [smem:$0x3FB5]  }
0x2d: {  	s3 =	simm.s32 $0x108;
	s8 =	sld [smem:$0x3FB6]  }
0x2e: {  	s3 =	simm.s32 @!p0 $0x1082;
	s9 =	sld [smem:$0x3FB7]  }
0x2f: {  	lr =	sadd.s32 s0, s3;
	s0 =	sld [smem:$0x3FAE]  }
0x30: {  	s3 =	sld [smem:$0x3FB1]  }
0x31: {  	[smem:$0x3FBA] =	sst s10  }
0x32: {  	s10 =	sld [smem:$0x3FB8];
	_ =	sdelay $0x3  }
0x33: {  	p0 =	seq.s32 s10, $0x1;
	s10 =	sld [smem:$0x3FBA];
	_ =	sdelay $0x3  }
0x34: {  	[smem:$0x3FBA] =	sst s10  }
0x35: {  	s10 =	sld [smem:$0x3FB9];
	_ =	sdelay $0x3  }
0x36: {  	p1 =	seq.s32 s10, $0x1;
	s10 =	sld [smem:$0x3FBA];
	_ =	sdelay $0x3  }
0x37: {  	[smem:$0x3FBA] =	sst s10  }
0x38: {  	s10 =	sld [smem:$0x3FBB]  }
0x39: {  	_ = 	snop;
	(pc) =	sbr.ind lr, $3  }
0x3a: {  	_ = 	snop  }
0x3b: {  	_ = 	snop  }
0x3c: {  	p2 =	seq.s32 s10, $0x1;
	s10 =	sld [smem:$0x3FBA]  }
0x3d: {  	_ =	shalt  }
0x3e: {  	_ =	shalt  }
0x3f: {  	_ =	shalt  }
0x40: {  	_ =	shalt  }
0x41: {  	_ =	shalt  }
0x42: {  	_ =	shalt  }
0x43: {  	_ =	shalt  }
0x44: {  	_ =	shalt  }
0x45: {  	_ =	shalt  }
0x46: {  	_ =	shalt  }
0x47: {  	_ =	shalt  }
0x48: {  	_ =	shalt  }
0x49: {  	_ =	shalt  }
0x4a: {  	_ =	shalt  }
0x4b: {  	_ =	shalt  }
0x4c: {  	_ =	shalt  }
0x4d: {  	_ =	shalt  }
0x4e: {  	_ =	shalt  }
0x4f: {  	_ =	shalt  }
0x50: {  	_ =	shalt  }
0x51: {  	_ =	shalt  }
0x52: {  	_ =	shalt  }
0x53: {  	_ =	shalt  }
0x54: {  	_ =	shalt  }
0x55: {  	_ =	shalt  }
0x56: {  	_ =	shalt  }
0x57: {  	_ =	shalt  }
0x58: {  	_ =	shalt  }
0x59: {  	_ =	shalt  }
0x5a: {  	_ =	shalt  }
0x5b: {  	_ =	shalt  }
0x5c: {  	_ =	shalt  }
0x5d: {  	_ =	shalt  }
0x5e: {  	_ =	shalt  }
0x5f: {  	_ =	shalt  }
0x60: {  	_ =	shalt  }
0x61: {  	_ =	shalt  }
0x62: {  	_ =	shalt  }
0x63: {  	_ =	shalt  }
0x64: {  	_ =	shalt  }
0x65: {  	_ =	shalt  }
0x66: {  	_ =	shalt  }
0x67: {  	_ =	shalt  }
0x68: {  	_ =	shalt  }
0x69: {  	_ =	shalt  }
0x6a: {  	_ =	shalt  }
0x6b: {  	_ =	shalt  }
0x6c: {  	_ =	shalt  }
0x6d: {  	_ =	shalt  }
0x6e: {  	_ =	shalt  }
0x6f: {  	_ =	shalt  }
0x70: {  	_ =	shalt  }
0x71: {  	_ =	shalt  }
0x72: {  	_ =	shalt  }
0x73: {  	_ =	shalt  }
0x74: {  	_ =	shalt  }
0x75: {  	_ =	shalt  }
0x76: {  	_ =	shalt  }
0x77: {  	_ =	shalt  }
0x78: {  	_ =	shalt  }
0x79: {  	_ =	shalt  }
0x7a: {  	_ =	shalt  }
0x7b: {  	_ =	shalt  }
0x7c: {  	_ =	shalt  }
0x7d: {  	_ =	shalt  }
0x7e: {  	_ =	shalt  }
0x7f: {  	_ =	shalt  }
0x80: {  	_ =	shalt  }
0x81: {  	_ =	shalt  }
0x82: {  	_ =	shalt  }
0x83: {  	_ =	shalt  }
0x84: {  	_ =	shalt  }
0x85: {  	_ =	shalt  }
0x86: {  	_ =	shalt  }
0x87: {  	_ =	shalt  }
.Lfunc_end0:
.L_simem_size_0:
called_computation_lowered:
.L_overlay_start_0:
0x88: {  	s2 =	sld [smem:$0x3FD9]  }
0x89: {  	s3 =	sld [smem:$0x3FFE];
	_ =	sdelay $0x1  }
0x8a: {  	s1 =	srdreg.scid  }
0x8b: {  	s0 =	sand.u32 $0x1, s1  }
0x8c: {  	s18 =	sshll.u32 s0, $0xA;
	s2 =	sadd.s32 s3, s2  }
0x8d: {  	s2 =	sadd.s32 s2, s18  }
0x8e: {  	[smem:$0x3FC6] =	sst s2  }
0x8f: {  	_ = 	snop  }
0x90: {  	s2 =	sld [smem:$0x3FC9]  }
0x91: {  	s19 =	sld [smem:$0x3FC8]  }
0x92: {  	s4 =	sld [smem:$0x3FD0];
	(tm) =	ssettm $0x1  }
0x93: {  	s5 =	sld [smem:$0x3FFB];
	_ =	sdelay $0x3  }
0x94: {  	_ =	strace s5  }
0x95: {  	s5 =	sld [smem:$0x3FFC];
	_ =	sdelay $0x3  }
0x96: {  	_ =	strace s5  }
0x97: {  	s5 =	sld [smem:$0x3FFD];
	_ =	sdelay $0x3  }
0x98: {  	_ =	strace s5  }
0x99: {  	_ =	strace $0x8FFFFFFF  }
0x9a: {  	s20 =	sld [smem:$0x3FDB];
	_ =	sdelay $0x1  }
0x9b: {  	s6 =	simm.s32 $_scs_section_size  }
0x9c: {  	s7 =	simm.s32 $_size__tile_overlayer_lowered;
	s8 =	simm.s32 $_tile_overlayer_lowered  }
0x9d: {  	s23 =	simm.s32 $0x1BFF;
	s22 =	sshll.u32 s8, $0x1;
	s5 =	sadd.s32 s6, s20  }
0x9e: {  	s9 =	simm.s32 $0x0;
	s21 =	sshll.u32 s7, $0x1;
	s7 =	sadd.s32 s22, s5  }
0x9f: {  	[timem:s9], [sflag:s23] =	dma.local [hbm:s7], s21  }
0xa0: {  	_ =	swait.ge [sflag:s23], s21  }
0xa1: {  	s6 =	ssub.s32 $0x0, s21;
	[sflag:s23] =	ssyncset.done $0x0  }
0xa2: {  	[sflag:s23] =	ssyncadd.s32 s6;
	_ =	sdelay $0x1  }
0xa3: {  	s24 =	simm.s32 $0x1B8B  }
0xa4: {  	_ =	swait.ge [sflag:s24], $0x1  }
0xa5: {  	[sflag:s24] =	ssyncset.done $0x0  }
0xa6: {  	s25 =	simm.s32 $0x1B8E;
	[sflag:s24] =	ssyncadd.s32 $0xFFFFFFFF  }
0xa7: {  	s26 =	simm.s32 $execute0_lowered;
	[smem:$0x3FD2] =	sst s25  }
0xa8: {  	s6 =	sshll.u32 s26, $0x1;
	_ =	strace $0x80000046;
	[dreg:$0x1] =	wrdreg $0xFFFFFFFF  }
0xa9: {  	s28 =	simm.s32 $_size_execute0_lowered;
	s5 =	sadd.s32 s5, s6;
	[dreg:$0x0] =	wrdreg $0x0  }
0xaa: {  	s6 =	sshll.u32 s28, $0x1;
	[dreg:$0x2] =	wrdreg s5  }
0xab: {  	[dreg:$0x3] =	wrdreg s6  }
0xac: {  	[dreg:$0x4] =	wrdreg $0xC0  }
0xad: {  	_ =	task [dreg:s9], $0x5FFFF  }
0xae: {  	[dreg:$0x1] =	wrdreg $0xFFFFFFFF  }
0xaf: {  	[dreg:$0x0] =	wrdreg $0x60  }
0xb0: {  	[dreg:$0x2] =	wrdreg s2  }
0xb1: {  	[dreg:$0x3] =	wrdreg s19  }
0xb2: {  	[dreg:$0x4] =	wrdreg s4  }
0xb3: {  	[dreg:$0x5] =	wrdreg $0x9  }
0xb4: {  	_ =	task.clear_ibuf [dreg:s9], $0x6FFFF;
	_ =	strace $0x90000046  }
0xb5: {  	s29 =	simm.s32 $0x9;
	_ =	strace $0x80000048  }
0xb6: {  	_ =	swait.ge [sflag:s29], $0x1  }
0xb7: {  	[sflag:s29] =	ssyncadd.s32 $0xFFFFFFFF  }
0xb8: {  	_ =	strace $0x90000048  }
0xb9: {  	_ =	sfence  }
0xba: {  	s30 =	sld [smem:$0x0];
	_ =	sdelay $0x2  }
0xbb: {  	s31 =	sshll.u32 s1, $0xD;
	s1 =	sshrl.u32 s1, $0x2  }
0xbc: {  	s3 =	sand.u32 $0x4000, s31;
	s1 =	sadd.s32 s1, s30  }
0xbd: {  	s0 =	sor.u32 s3, s0;
	s1 =	sshll.u32 s1, $0x11  }
0xbe: {  	s0 =	sor.u32 s1, s0  }
0xbf: {  	s0 =	sadd.s32 $0x8F2B, s0  }
0xc0: {  	[sflag:s0] =	ssyncadd.remote.s32 $0x1  }
0xc1: {  	_ =	sfence.sel $0xFFFF  }
0xc2: {  	[dreg:$0x0] =	wrdreg $0xFFFFFFFF;
	(pc) =	sbr.abs _section_cstart, $3  }
0xc3: {  	[dreg:$0x1] =	wrdreg $0xFFFFFFFF  }
0xc4: {  	_ =	task.clear_ibuf [dreg:s9], $0x2FFFF;
	_ =	strace $0x9FFFFFFF  }
0xc5: {  	(tm) =	ssettm $0x7FFFFFFF  }
tec
execute0_lowered:
.L_overlay_start_1:
0x0: {  	(tag) =	ssettag $0x1  }
0x1: {  	s1 =	rddreg [dreg:$0x0]  }
0x2: {  	s4 =	rddreg [dreg:$0x1]  }
0x3: {  	s2 =	srdreg.scid;
	s0 =	stileid.u32  }
0x4: {  	s5 =	rddreg [dreg:$0x2];
	s3 =	simm.s32 $0x0;
	s11 =	simm.s32 $0x1900  }
0x5: {  	s12 =	simm.s32 $0x0;
	s6 =	sand.u32 $0x1, s2;
	s7 =	sshll.u32 s0, $0x1  }
0x6: {  	s2 =	rddreg [dreg:$0x3];
	s10 =	smul.u32 $0x3200, s0;
	s7 =	sor.u32 s6, s7  }
0x7: {  	[smem:$0x7FF] =	sst s3;
	s8 =	ssub.s32 $0x2, s6;
	s7 =	smul.u32 $0x1900, s7  }
0x8: {  	_ =	strace $0x80000047;
	s31 =	smul.u32 $0x1900, s6;
	s9 =	sshrl.u32 s8, $0x1  }
0x9: {  	s8 =	ssub.s32 s8, s9;
	s9 =	simm.s32 $0x640;
	s7 =	sshrl.u32 s7, $0x3  }
0xa: {  	s6 =	smax.u32 s8, $0x1;
	s8 =	simm.s32 $0x2;
	s4 =	sadd.s32 s4, s7  }
0xb: {  	v0 =	vlaneseq.u32;
	s5 =	sadd.s32 s5, s7;
	s7 =	sadd.s32 s31, s10;
	s10 =	simm.s32 $0x1  }
.LBB2_1:
0xc: {  	[tilespmem:s3], [sflag:$0x2] =	stream.linear.gather [hbm4b:s4+s3], $0x1900, $0x38;
	[tilespmem:$0x3200] =	vst v63  }
0xd: {  	_ =	swait.ge [sflag:s8], $0x1900  }
0xe: {  	s13 =	simm.s32 $0x20;
	[sflag:s8] =	ssyncset.done $0x0  }
0xf: {  	s14 =	simm.s32 $0x0;
	s15 =	simm.s32 $0x0;
	[sflag:s8] =	ssyncadd.s32 $0xFFFFE700  }
.LBB2_2:
0x10: {  	v4 =	vld [tilespmem:s13+$0x10]  }
0x11: {  	v1 =	vld [tilespmem:s13+$0xFFFFFFE0]  }
0x12: {  	v2 =	vld [tilespmem:s13+$0xFFFFFFF0];
	s16 =	simm.s32 $0x0;
	s17 =	sadd.s32 s14, s7  }
0x13: {  	s18 =	sadd.s32 $0x10, s14;
	v3 =	vld [tilespmem:s13+$0x0];
	s19 =	sadd.s32 $0x20, s14;
	s20 =	sadd.s32 $0x30, s14  }
0x14: {  	s31 =	sand.u32 $0x40, s14;
	s21 =	sadd.s32 $0x30, s17;
	s22 =	sadd.s32 $0x10, s17  }
0x15: {  	s20 =	sand.u32 $0x70, s20;
	s23 =	sadd.s32 $0x20, s17;
	s21 =	sand.u32 $0x1C00, s21;
	v5 =	vshll.u32 v4, $0x7  }
0x16: {  	s17 =	sand.u32 $0x1C00, s17;
	s18 =	sand.u32 $0x50, s18;
	s20 =	sor.u32 s20, s21;
	v6 =	vshll.u32 v1, $0x7;
	v4 =	vshll.u32 v4, $0xA;
	v5 =	vand.u32 $0x380, v5  }
0x17: {  	s19 =	sand.u32 $0x60, s19;
	s22 =	sand.u32 $0x1C00, s22;
	s30 =	sand.u32 $0x1C00, s23;
	v7 =	vshll.u32 v2, $0x7;
	v8 =	vand.u32 $0xFFFFE000, v4;
	v5 =	vor.u32 s20, v5  }
0x18: {  	s21 =	sor.u32 s19, s30;
	s19 =	smov.u32 s14;
	v9 =	vshll.u32 v3, $0x7;
	v4 =	vand.u32 $0x380, v6;
	s20 =	sor.u32 s18, s22;
	v8 =	vor.u32 v8, v5  }
0x19: {  	v6 =	vand.u32 $0x380, v7;
	s22 =	sor.u32 s31, s17;
	s18 =	sadd.s32 $0x40, s13;
	s17 =	smov.u32 s13;
	v5 =	vand.u32 $0x380, v9;
	v7 =	vor.u32 v0, v8  }
.LBB2_3:
0x1a: {  	v8 =	vld [tilespmem:s18+$0x10];
	s16 =	sadd.s32 $0x4, s16;
	v9 =	vshll.u32 v1, $0xA;
	v10 =	vshll.u32 v2, $0xA;
	v3 =	vshll.u32 v3, $0xA;
	[tilespmem:s17+$0x10] =	vst v7  }
0x1b: {  	v4 =	vor.u32 s22, v4;
	v6 =	vor.u32 s20, v6;
	v5 =	vor.u32 s21, v5;
	s19 =	sadd.s32 $0x40, s19;
	v1 =	vld [tilespmem:s18+$0xFFFFFFE0];
	p0 =	slt.u32 s16, $0x60  }
0x1c: {  	v7 =	vand.u32 $0xFFFFE000, v9;
	v9 =	vand.u32 $0xFFFFE000, v10;
	v10 =	vand.u32 $0xFFFFE000, v3;
	s20 =	sadd.s32 s19, s7;
	v2 =	vld [tilespmem:s18+$0xFFFFFFF0]  }
0x1d: {  	s21 =	sadd.s32 $0x10, s19;
	s22 =	sadd.s32 $0x20, s19;
	s24 =	sadd.s32 $0x30, s19;
	v4 =	vor.u32 v7, v4;
	v6 =	vor.u32 v9, v6;
	v5 =	vor.u32 v10, v5;
	v3 =	vld [tilespmem:s18+$0x0]  }
0x1e: {  	s23 =	sadd.s32 $0x10, s20;
	s25 =	sadd.s32 $0x30, s20;
	s26 =	sadd.s32 $0x20, s20;
	v4 =	vor.u32 v0, v4;
	v6 =	vor.u32 v0, v6;
	v5 =	vor.u32 v0, v5  }
.Ltmp0:
0x1f: {  	s24 =	sand.u32 $0x70, s24;
	s25 =	sand.u32 $0x1C00, s25;
	v7 =	vshll.u32 v8, $0x7;
	[tilespmem:s17+$0xFFFFFFE0] =	vst v4;
	(pc) =	sbr.rel @p0 .LBB2_3-.Ltmp0, $4  }
0x20: {  	s23 =	sand.u32 $0x1C00, s23;
	s26 =	sand.u32 $0x1C00, s26;
	s24 =	sor.u32 s24, s25;
	v8 =	vshll.u32 v8, $0xA;
	v4 =	vshll.u32 v1, $0x7;
	v7 =	vand.u32 $0x380, v7;
	[tilespmem:s17+$0xFFFFFFF0] =	vst v6  }
0x21: {  	s25 =	sand.u32 $0x1C00, s20;
	s20 =	sand.u32 $0x50, s21;
	s21 =	sand.u32 $0x60, s22;
	v8 =	vand.u32 $0xFFFFE000, v8;
	v6 =	vshll.u32 v2, $0x7;
	v7 =	vor.u32 s24, v7;
	[tilespmem:s17+$0x0] =	vst v5  }
0x22: {  	s20 =	sor.u32 s20, s23;
	s21 =	sor.u32 s21, s26;
	s17 =	sand.u32 $0x40, s19;
	v4 =	vand.u32 $0x380, v4;
	v5 =	vshll.u32 v3, $0x7;
	v7 =	vor.u32 v8, v7  }
0x23: {  	s22 =	sor.u32 s17, s25;
	v6 =	vand.u32 $0x380, v6;
	s17 =	smov.u32 s18;
	s18 =	sadd.s32 $0x40, s18;
	v5 =	vand.u32 $0x380, v5;
	v7 =	vor.u32 v0, v7  }
0x24: {  	v1 =	vshll.u32 v1, $0xA;
	v2 =	vshll.u32 v2, $0xA;
	v3 =	vshll.u32 v3, $0xA  }
0x25: {  	v4 =	vor.u32 s22, v4;
	v6 =	vor.u32 s20, v6;
	s16 =	smul.u32 $0x640, s15;
	s15 =	sadd.s32 $0x1, s15;
	v1 =	vand.u32 $0xFFFFE000, v1  }
0x26: {  	v5 =	vor.u32 s21, v5;
	v2 =	vand.u32 $0xFFFFE000, v2;
	p0 =	sne.s32 s15, $0x4;
	v1 =	vor.u32 v1, v4  }
.Ltmp1:
0x27: {  	[tilespmem:s17+$0x10] =	vst v7;
	v3 =	vand.u32 $0xFFFFE000, v3;
	v2 =	vor.u32 v2, v6;
	v1 =	vor.u32 v0, v1;
	(pc) =	sbr.rel @p0 .LBB2_2-.Ltmp1, $4  }
0x28: {  	v3 =	vor.u32 v3, v5;
	v2 =	vor.u32 v0, v2;
	[tilespmem:s17+$0xFFFFFFE0] =	vst v1  }
0x29: {  	v1 =	vor.u32 v0, v3;
	[tilespmem:s17+$0xFFFFFFF0] =	vst v2  }
0x2a: {  	s14 =	sadd.s32 $0x640, s14;
	s13 =	sadd.s32 $0x640, s13;
	s31 =	sadd.s32 $0x1900, s16;
	[tilespmem:s17+$0x0] =	vst v1  }
0x2b: {  	[tilespmem:s31], [sflag:$0x1] =	stream.indirect.gather [hbm4b:s1+s9], $0x1, s16, s9, $0xb8;
	[tilespmem:$0x3200] =	vst v63  }
0x2c: {  	_ =	swait.ge [sflag:s10], $0x640  }
0x2d: {  	[sflag:s10] =	ssyncset.done $0x0  }
0x2e: {  	[sflag:s10] =	ssyncadd.s32 $0xFFFFF9C0  }
0x2f: {  	_ =	swait.ge [sflag:s10], $0x640  }
0x30: {  	[sflag:s10] =	ssyncset.done $0x0  }
0x31: {  	[sflag:s10] =	ssyncadd.s32 $0xFFFFF9C0  }
0x32: {  	_ =	swait.ge [sflag:s10], $0x640  }
0x33: {  	[sflag:s10] =	ssyncset.done $0x0  }
0x34: {  	[sflag:s10] =	ssyncadd.s32 $0xFFFFF9C0  }
0x35: {  	s12 =	sadd.s32 $0x1, s12;
	_ =	swait.ge [sflag:s10], $0x640  }
0x36: {  	p0 =	sne.s32 s12, s6;
	[sflag:s10] =	ssyncset.done $0x0  }
.Ltmp2:
0x37: {  	[sflag:s10] =	ssyncadd.s32 $0xFFFFF9C0;
	(pc) =	sbr.rel @p0 .LBB2_1-.Ltmp2, $4  }
0x38: {  	[hbm4b:s5+s3] =	stream.linear.scatter [tilespmem:s11], [sflag:$0x2], $0x1900, $0x38;
	[tilespmem:$0x3200] =	vst v63  }
0x39: {  	_ =	swait.ge [sflag:s8], $0x1900  }
0x3a: {  	[sflag:s8] =	ssyncset.done $0x0  }
0x3b: {  	[sflag:s8] =	ssyncadd.s32 $0xFFFFE700  }
0x3c: {  	_ =	sfence.sel $0x180000  }
0x3d: {  	[bflag:$0x0] =	sbarrier.arrive $0xFFFF  }
0x3e: {  	p0 =	sne.s32 s0, $0x0;
	_ =	strace $0x90000047  }
0x3f: {  	s0 =	sadd.s32 @!p0 $0x100000, s2;
	[bflag:$0x2] =	sbarrier.arrive $0xFFFF  }
0x40: {  	[sflag:s0] =	ssyncadd.tile.s32 @!p0 $0x1;
	_ =	shalt  }
.Lfunc_end2:
_tile_overlayer_lowered:
.L_overlay_start_2:
0x41: {  	(tag) =	ssettag $0x2  }
0x42: {  	s0 =	rddreg [dreg:$0x0];
	s2 =	stileid.u32  }
0x43: {  	s1 =	rddreg [dreg:$0x1];
	p0 =	sne.s32 s2, $0x0  }
0x44: {  	s3 =	rddreg [dreg:$0x2];
	[bflag:$0x3] =	sbarrier.arrive $0xFFFF;
	s2 =	simm.s32 @!p0 $0x1C02  }
0x45: {  	[timem:s3], [sflag:s2] =	dma.local @!p0 [hbm:s0], s1  }
0x46: {  	s0 =	simm.s32 @!p0 $0x2  }
0x47: {  	_ =	swait.ge @!p0 [sflag:s0], s1  }
0x48: {  	s1 =	ssub.s32 @!p0 $0x0, s1;
	[sflag:s0] =	ssyncset.done @!p0 $0x0  }
0x49: {  	[sflag:s0] =	ssyncadd.s32 @!p0 s1  }
0x4a: {  	[bflag:$0x3] =	sbarrier.arrive $0xFFFF  }
0x4b: {  	_ =	shalt  }

</sc_bundles>
